<compile_context>
chip_gen: v7x
topology: tpu7x:2x2x1
jax: 0.10.2.dev20260603
libtpu: 0.0.44.dev20260713+nightly
codegen_flags: <defaults>
</compile_context>

<pallas_src>
import functools

import jax
import jax.numpy as jnp
from jax.experimental import pallas as pl
from jax.experimental.pallas import tpu as pltpu

POOL = 30
TOPK = 5
LEN = 5
D = 768
B = 128
S = 197
PROMPT_ROWS = TOPK * LEN
OUT_S = PROMPT_ROWS + S


def _copy_mean_body(x_ref, out_ref, mean_ref):
    x = x_ref[0]
    out_ref[0, PROMPT_ROWS:OUT_S, :] = x
    mean_ref[0, 0, :] = jnp.sum(x, axis=0) / jnp.float32(S)


def _route_body(mean_ref, pk_ref, prompt_ref, big_in_ref, big_out_ref,
                sim_ref, idx_ref, rs_ref):
    del big_in_ref
    xm = mean_ref[:, 0, :]
    pk = pk_ref[:]
    pkn = pk * jax.lax.rsqrt(
        jnp.maximum(jnp.sum(pk * pk, axis=1, keepdims=True), jnp.float32(1e-12)))
    xn = xm * jax.lax.rsqrt(
        jnp.maximum(jnp.sum(xm * xm, axis=1, keepdims=True), jnp.float32(1e-12)))
    sim = jnp.dot(xn, pkn.T, preferred_element_type=jnp.float32)
    sim_ref[:] = sim

    iota_pool = jax.lax.broadcasted_iota(jnp.int32, (B, POOL), 1)
    masked = sim
    picked = jnp.zeros((B, POOL), jnp.float32)
    for _ in range(TOPK):
        rowmax = jnp.max(masked, axis=1, keepdims=True)
        am = jnp.min(jnp.where(masked == rowmax, iota_pool, POOL), axis=1)
        onehot = (iota_pool == am[:, None]).astype(jnp.float32)
        picked = picked + onehot
        masked = jnp.where(onehot > 0, -jnp.inf, masked)
    counts = jnp.sum(picked, axis=0, keepdims=True)

    iota_row = jax.lax.broadcasted_iota(jnp.int32, (1, POOL), 1)
    iota_k = jax.lax.broadcasted_iota(jnp.int32, (1, TOPK), 1)
    cm = counts
    majors = jnp.zeros((1, TOPK), jnp.int32)
    major_mask = jnp.zeros((1, POOL), jnp.float32)
    for k in range(TOPK):
        cmax = jnp.max(cm, axis=1, keepdims=True)
        mk = jnp.min(jnp.where(cm == cmax, iota_row, POOL), axis=1)
        onehot_m = (iota_row == mk[:, None]).astype(jnp.float32)
        major_mask = major_mask + onehot_m
        majors = jnp.where(iota_k == k, mk[:, None], majors)
        cm = jnp.where(onehot_m > 0, jnp.float32(-1.0), cm)
    idx_ref[:] = jnp.broadcast_to(majors, (B, TOPK))

    colsum = jnp.sum(sim, axis=0, keepdims=True)
    rs_ref[:, :] = jnp.sum(colsum * major_mask, axis=1, keepdims=True) / jnp.float32(B)

    for k in range(TOPK):
        mk_s = majors[0, k]
        sub = prompt_ref[pl.ds(mk_s, 1), :]
        big_out_ref[:, k * LEN * D:(k + 1) * LEN * D] = jnp.broadcast_to(
            sub, (B, LEN * D))


@functools.partial(jax.jit)
def kernel(x_embed, prompt, prompt_key):
    big, mean = pl.pallas_call(
        _copy_mean_body,
        grid=(B,),
        in_specs=[pl.BlockSpec((1, S, D), lambda b: (b, 0, 0))],
        out_specs=[
            pl.BlockSpec((1, OUT_S, D), lambda b: (b, 0, 0)),
            pl.BlockSpec((1, 1, D), lambda b: (b, 0, 0)),
        ],
        out_shape=[
            jax.ShapeDtypeStruct((B, OUT_S, D), jnp.float32),
            jax.ShapeDtypeStruct((B, 1, D), jnp.float32),
        ],
    )(x_embed)

    big_flat = big.reshape(B, OUT_S * D)
    prompt_flat = prompt.reshape(POOL, LEN * D)
    big2, sim, idx, rs = pl.pallas_call(
        _route_body,
        grid=(1,),
        in_specs=[
            pl.BlockSpec((B, 1, D), lambda i: (0, 0, 0)),
            pl.BlockSpec((POOL, D), lambda i: (0, 0)),
            pl.BlockSpec((POOL, LEN * D), lambda i: (0, 0)),
            pl.BlockSpec(memory_space=pl.ANY),
        ],
        out_specs=[
            pl.BlockSpec((B, PROMPT_ROWS * D), lambda i: (0, 0)),
            pl.BlockSpec((B, POOL), lambda i: (0, 0)),
            pl.BlockSpec((B, TOPK), lambda i: (0, 0)),
            pl.BlockSpec((1, 1), lambda i: (0, 0)),
        ],
        out_shape=[
            jax.ShapeDtypeStruct((B, OUT_S * D), jnp.float32),
            jax.ShapeDtypeStruct((B, POOL), jnp.float32),
            jax.ShapeDtypeStruct((B, TOPK), jnp.int32),
            jax.ShapeDtypeStruct((1, 1), jnp.float32),
        ],
        input_output_aliases={3: 0},
    )(mean, prompt_key, prompt_flat, big_flat)

    return big2.reshape(B, OUT_S, D), rs[0, 0], sim, idx

# --- scband reference (transcript-rebuilt; emitter-appended) ---
"""Pipeline reference for scband-l2-pnet-10737418240222 (READ-ONLY COPY).

The authoritative reference and input builder live on the scoring server;
editing this copy changes nothing except your own understanding.
"""

import jax, jax.numpy as jnp
import numpy as np

POOL_SIZE = 30
TOP_K = 5
LENGTH = 5
EMBED_DIM = 768
BATCH = 128
SEQ = 197


def l2_normalize(x, axis):
    square_sum = jnp.sum(x ** 2, axis=axis, keepdims=True)
    x_inv_norm = jax.lax.rsqrt(jnp.maximum(square_sum, jnp.asarray(1e-12, x.dtype)))
    return x * x_inv_norm


def setup_inputs(seed: int = 0) -> dict:
    key = jax.random.key(seed)
    k1, k2, k3 = jax.random.split(key, 3)
    x_embed = jax.random.normal(k1, (BATCH, SEQ, EMBED_DIM), dtype=jnp.float32)
    # learned parameters (uniform init per prompt_init='uniform'/prompt_key_init='uniform')
    prompt = jax.random.uniform(k2, (POOL_SIZE, LENGTH, EMBED_DIM), dtype=jnp.float32)
    prompt_key = jax.random.uniform(k3, (POOL_SIZE, EMBED_DIM), dtype=jnp.float32)
    return {"x_embed": x_embed, "prompt": prompt, "prompt_key": prompt_key}


def reference(x_embed, prompt, prompt_key):
    B = x_embed.shape[0]
    # embedding_key == 'mean'
    x_embed_mean = jnp.mean(x_embed, axis=1)
    prompt_norm = l2_normalize(prompt_key, axis=1)            # [pool, D]
    x_embed_norm = l2_normalize(x_embed_mean, axis=1)         # [B, D]
    similarity = x_embed_norm @ prompt_norm.T                 # [B, pool]
    _, idx = jax.lax.top_k(similarity, TOP_K)                 # [B, top_k]
    # batchwise_prompt=True: majority vote over batch
    prompt_id, id_counts = jnp.unique(idx, return_counts=True, size=POOL_SIZE, fill_value=jnp.min(idx))
    _, major_idx = jax.lax.top_k(id_counts, TOP_K)
    major_prompt_id = prompt_id[major_idx]
    idx = jnp.broadcast_to(major_prompt_id[None, :], (B, TOP_K))  # [B, top_k]
    # gather selected prompts
    batched_prompt_raw = jnp.take(prompt, idx, axis=0)        # [B, top_k, length, D]
    batched_prompt = batched_prompt_raw.reshape(B, TOP_K * LENGTH, EMBED_DIM)
    batched_key_norm = jnp.take(prompt_norm, idx, axis=0)     # [B, top_k, D]
    sim = batched_key_norm * x_embed_norm[:, None, :]
    reduce_sim = jnp.sum(sim) / B
    prompted_embedding = jnp.concatenate([batched_prompt, x_embed], axis=1)
    return prompted_embedding, reduce_sim, similarity, idx

if __name__ == "__main__":
    import jax
    _d = setup_inputs()
    print(jax.jit(kernel)(*tuple(_d.values())))

</pallas_src>

<mosaic_0001>
module attributes {stable_mosaic.version = 14 : i64} {
  func.func @_copy_mean_body(%arg0: i32, %arg1: memref<1x197x768xf32, #tpu.memory_space<vmem>>, %arg2: memref<1x222x768xf32, #tpu.memory_space<vmem>>, %arg3: memref<1x1x768xf32, #tpu.memory_space<vmem>>) attributes {dimension_semantics = [#tpu.dimension_semantics<arbitrary>], iteration_bounds = array<i64: 128>, scalar_prefetch = 0 : i64, scratch_operands = 0 : i64, tpu.core_type = #tpu.core_type<tc>, window_params = [{transform_indices = @transform_0, window_bounds = array<i64: 1, 197, 768>}, {transform_indices = @transform_1, window_bounds = array<i64: 1, 222, 768>}, {transform_indices = @transform_2, window_bounds = array<i64: 1, 1, 768>}]} {
    %get3A = arith.constant 0 : index
    %get3A_0 = arith.constant 0 : index
    %get3A_1 = arith.constant 0 : index
    %get3A_2 = vector.load %arg1[%get3A, %get3A_0, %get3A_1] : memref<1x197x768xf32, #tpu.memory_space<vmem>>, vector<1x197x768xf32>
    %get3A_3 = vector.shape_cast %get3A_2 : vector<1x197x768xf32> to vector<197x768xf32>
    %swap3A = arith.constant 0 : index
    %swap3A_4 = arith.constant 25 : index
    %swap3A_5 = arith.constant 0 : index
    %swap3A_6 = vector.load %arg2[%swap3A, %swap3A_4, %swap3A_5] : memref<1x222x768xf32, #tpu.memory_space<vmem>>, vector<1x197x768xf32>
    %swap3A_7 = vector.shape_cast %swap3A_6 : vector<1x197x768xf32> to vector<197x768xf32>
    %swap3A_8 = vector.shape_cast %get3A_3 : vector<197x768xf32> to vector<1x197x768xf32>
    tpu.vector_store %arg2[%swap3A, %swap3A_4, %swap3A_5], %swap3A_8 {strides = array<i32>} : memref<1x222x768xf32, #tpu.memory_space<vmem>>, vector<1x197x768xf32>,
    %reduce_sum3A = arith.constant dense<0.000000e+00> : vector<768xf32>
    %reduce_sum3A_9 = vector.multi_reduction <add>, %get3A_3, %reduce_sum3A [0] : vector<197x768xf32> to vector<768xf32>
    %div3A = arith.constant 1.970000e+02 : f32
    %div3A_10 = vector.broadcast %div3A : f32 to vector<768xf32>
    %div3A_11 = arith.divf %reduce_sum3A_9, %div3A_10 : vector<768xf32>
    %swap3A_12 = arith.constant 0 : index
    %swap3A_13 = arith.constant 0 : index
    %swap3A_14 = arith.constant 0 : index
    %swap3A_15 = vector.load %arg3[%swap3A_12, %swap3A_13, %swap3A_14] : memref<1x1x768xf32, #tpu.memory_space<vmem>>, vector<1x1x768xf32>
    %swap3A_16 = vector.shape_cast %swap3A_15 : vector<1x1x768xf32> to vector<768xf32>
    %swap3A_17 = vector.shape_cast %div3A_11 : vector<768xf32> to vector<1x1x768xf32>
    tpu.vector_store %arg3[%swap3A_12, %swap3A_13, %swap3A_14], %swap3A_17 {strides = array<i32>} : memref<1x1x768xf32, #tpu.memory_space<vmem>>, vector<1x1x768xf32>,
    return
  }
  func.func @transform_0(%arg0: i32) -> (i32, i32, i32) {
    %c0_i32 = arith.constant 0 : i32
    %c0_i32_0 = arith.constant 0 : i32
    %c0_i32_1 = arith.constant 0 : i32
    return %arg0, %c0_i32, %c0_i32_0 : i32, i32, i32
  }
  func.func @transform_1(%arg0: i32) -> (i32, i32, i32) {
    %c0_i32 = arith.constant 0 : i32
    %c0_i32_0 = arith.constant 0 : i32
    %c0_i32_1 = arith.constant 0 : i32
    return %arg0, %c0_i32, %c0_i32_0 : i32, i32, i32
  }
  func.func @transform_2(%arg0: i32) -> (i32, i32, i32) {
    %c0_i32 = arith.constant 0 : i32
    %c0_i32_0 = arith.constant 0 : i32
    %c0_i32_1 = arith.constant 0 : i32
    return %arg0, %c0_i32, %c0_i32_0 : i32, i32, i32
  }
}

module attributes {stable_mosaic.version = 14 : i64} {
  func.func @_route_body(%arg0: i32, %arg1: memref<128x1x768xf32, #tpu.memory_space<vmem>>, %arg2: memref<30x768xf32, #tpu.memory_space<vmem>>, %arg3: memref<30x3840xf32, #tpu.memory_space<vmem>>, %arg4: memref<128x170496xf32, #tpu.memory_space<any>>, %arg5: memref<128x19200xf32, #tpu.memory_space<vmem>>, %arg6: memref<128x30xf32, #tpu.memory_space<vmem>>, %arg7: memref<128x5xi32, #tpu.memory_space<vmem>>, %arg8: memref<1x1xf32, #tpu.memory_space<vmem>>) attributes {dimension_semantics = [#tpu.dimension_semantics<arbitrary>], iteration_bounds = array<i64: 1>, scalar_prefetch = 0 : i64, scratch_operands = 0 : i64, tpu.core_type = #tpu.core_type<tc>, window_params = [{pipeline_mode = #tpu.pipeline_mode<synchronous>, transform_indices = @transform_0, window_bounds = array<i64: 128, 1, 768>}, {pipeline_mode = #tpu.pipeline_mode<synchronous>, transform_indices = @transform_1, window_bounds = array<i64: 30, 768>}, {pipeline_mode = #tpu.pipeline_mode<synchronous>, transform_indices = @transform_2, window_bounds = array<i64: 30, 3840>}, {}, {transform_indices = @transform_4, window_bounds = array<i64: 128, 19200>}, {pipeline_mode = #tpu.pipeline_mode<synchronous>, transform_indices = @transform_5, window_bounds = array<i64: 128, 30>}, {pipeline_mode = #tpu.pipeline_mode<synchronous>, transform_indices = @transform_6, window_bounds = array<i64: 128, 5>}, {pipeline_mode = #tpu.pipeline_mode<synchronous>, transform_indices = @transform_7, window_bounds = array<i64: 1, 1>}]} {
    %get3A = arith.constant 0 : index
    %get3A_0 = arith.constant 0 : index
    %get3A_1 = arith.constant 0 : index
    %get3A_2 = vector.load %arg1[%get3A, %get3A_0, %get3A_1] : memref<128x1x768xf32, #tpu.memory_space<vmem>>, vector<128x1x768xf32>
    %get3A_3 = vector.shape_cast %get3A_2 : vector<128x1x768xf32> to vector<128x768xf32>
    %get3A_4 = arith.constant 0 : index
    %get3A_5 = arith.constant 0 : index
    %get3A_6 = vector.load %arg2[%get3A_4, %get3A_5] : memref<30x768xf32, #tpu.memory_space<vmem>>, vector<30x768xf32>
    %mul3A = arith.mulf %get3A_6, %get3A_6 : vector<30x768xf32>
    %reduce_sum3A = arith.constant dense<0.000000e+00> : vector<30xf32>
    %reduce_sum3A_7 = vector.multi_reduction <add>, %mul3A, %reduce_sum3A [1] : vector<30x768xf32> to vector<30xf32>
    %broadcast_in_dim3A = vector.shape_cast %reduce_sum3A_7 : vector<30xf32> to vector<30x1xf32>
    %max3A = arith.constant 9.99999996E-13 : f32
    %max3A_8 = vector.broadcast %max3A : f32 to vector<30x1xf32>
    %max3A_9 = arith.maximumf %broadcast_in_dim3A, %max3A_8 : vector<30x1xf32>
    %rsqrt3A = math.rsqrt %max3A_9 : vector<30x1xf32>
    %mul3A_10 = vector.broadcast %rsqrt3A : vector<30x1xf32> to vector<30x768xf32>
    %mul3A_11 = arith.mulf %get3A_6, %mul3A_10 : vector<30x768xf32>
    %mul3A_12 = arith.mulf %get3A_3, %get3A_3 : vector<128x768xf32>
    %reduce_sum3A_13 = arith.constant dense<0.000000e+00> : vector<128xf32>
    %reduce_sum3A_14 = vector.multi_reduction <add>, %mul3A_12, %reduce_sum3A_13 [1] : vector<128x768xf32> to vector<128xf32>
    %broadcast_in_dim3A_15 = vector.shape_cast %reduce_sum3A_14 : vector<128xf32> to vector<128x1xf32>
    %max3A_16 = arith.constant 9.99999996E-13 : f32
    %max3A_17 = vector.broadcast %max3A_16 : f32 to vector<128x1xf32>
    %max3A_18 = arith.maximumf %broadcast_in_dim3A_15, %max3A_17 : vector<128x1xf32>
    %rsqrt3A_19 = math.rsqrt %max3A_18 : vector<128x1xf32>
    %mul3A_20 = vector.broadcast %rsqrt3A_19 : vector<128x1xf32> to vector<128x768xf32>
    %mul3A_21 = arith.mulf %get3A_3, %mul3A_20 : vector<128x768xf32>
    %transpose3A = tpu.transpose %mul3A_11, [1, 0] : vector<30x768xf32> -> vector<768x30xf32>
    %dot_general3A = arith.constant dense<0.000000e+00> : vector<128x30xf32>
    %dot_general3A_22 = tpu.matmul %mul3A_21, %transpose3A, %dot_general3A {dimension_numbers = #tpu.dot_dimension_numbers<[1], [0], [0], [1], [0, 0, 1, 1], [], []>, transpose_lhs_hint = false} : vector<128x768xf32>, vector<768x30xf32>, vector<128x30xf32> -> vector<128x30xf32>
    %swap3A = arith.constant 0 : index
    %swap3A_23 = arith.constant 0 : index
    %swap3A_24 = vector.load %arg6[%swap3A, %swap3A_23] : memref<128x30xf32, #tpu.memory_space<vmem>>, vector<128x30xf32>
    tpu.vector_store %arg6[%swap3A, %swap3A_23], %dot_general3A_22 {strides = array<i32>} : memref<128x30xf32, #tpu.memory_space<vmem>>, vector<128x30xf32>,
    %iota3A = tpu.iota {dimensions = array<i32: 1>} : vector<128x30xi32>
    %broadcast_in_dim3A_25 = arith.constant 0.000000e+00 : f32
    %broadcast_in_dim3A_26 = vector.broadcast %broadcast_in_dim3A_25 : f32 to vector<128x30xf32>
    %reduce_max3A = arith.constant dense<0xFF800000> : vector<128xf32>
    %reduce_max3A_27 = vector.multi_reduction <maximumf>, %dot_general3A_22, %reduce_max3A [1] : vector<128x30xf32> to vector<128xf32>
    %broadcast_in_dim3A_28 = vector.shape_cast %reduce_max3A_27 : vector<128xf32> to vector<128x1xf32>
    %eq3A = vector.broadcast %broadcast_in_dim3A_28 : vector<128x1xf32> to vector<128x30xf32>
    %eq3A_29 = arith.cmpf oeq, %dot_general3A_22, %eq3A : vector<128x30xf32>
    %jit3A = arith.constant 30 : i32
    %broadcast_in_dim3A_30 = vector.broadcast %jit3A : i32 to vector<128x30xi32>
    %select_n3A = arith.select %eq3A_29, %iota3A, %broadcast_in_dim3A_30 : vector<128x30xi1>, vector<128x30xi32>
    %reduce_min3A = arith.constant dense<2147483647> : vector<128xi32>
    %reduce_min3A_31 = vector.multi_reduction <minsi>, %select_n3A, %reduce_min3A [1] : vector<128x30xi32> to vector<128xi32>
    %broadcast_in_dim3A_32 = vector.shape_cast %reduce_min3A_31 : vector<128xi32> to vector<128x1xi32>
    %eq3A_33 = vector.broadcast %broadcast_in_dim3A_32 : vector<128x1xi32> to vector<128x30xi32>
    %eq3A_34 = arith.cmpi eq, %iota3A, %eq3A_33 : vector<128x30xi32>
    %convert_element_type3A = arith.extui %eq3A_34 : vector<128x30xi1> to vector<128x30xi32>
    %convert_element_type3A_35 = arith.sitofp %convert_element_type3A : vector<128x30xi32> to vector<128x30xf32>
    %add3A = arith.addf %broadcast_in_dim3A_26, %convert_element_type3A_35 : vector<128x30xf32>
    %gt3A = arith.constant 0.000000e+00 : f32
    %gt3A_36 = vector.broadcast %gt3A : f32 to vector<128x30xf32>
    %gt3A_37 = arith.cmpf ogt, %convert_element_type3A_35, %gt3A_36 : vector<128x30xf32>
    %jit3A_38 = arith.constant 0xFF800000 : f32
    %broadcast_in_dim3A_39 = vector.broadcast %jit3A_38 : f32 to vector<128x30xf32>
    %select_n3A_40 = arith.select %gt3A_37, %broadcast_in_dim3A_39, %dot_general3A_22 : vector<128x30xi1>, vector<128x30xf32>
    %reduce_max3A_41 = arith.constant dense<0xFF800000> : vector<128xf32>
    %reduce_max3A_42 = vector.multi_reduction <maximumf>, %select_n3A_40, %reduce_max3A_41 [1] : vector<128x30xf32> to vector<128xf32>
    %broadcast_in_dim3A_43 = vector.shape_cast %reduce_max3A_42 : vector<128xf32> to vector<128x1xf32>
    %eq3A_44 = vector.broadcast %broadcast_in_dim3A_43 : vector<128x1xf32> to vector<128x30xf32>
    %eq3A_45 = arith.cmpf oeq, %select_n3A_40, %eq3A_44 : vector<128x30xf32>
    %jit3A_46 = arith.constant 30 : i32
    %broadcast_in_dim3A_47 = vector.broadcast %jit3A_46 : i32 to vector<128x30xi32>
    %select_n3A_48 = arith.select %eq3A_45, %iota3A, %broadcast_in_dim3A_47 : vector<128x30xi1>, vector<128x30xi32>
    %reduce_min3A_49 = arith.constant dense<2147483647> : vector<128xi32>
    %reduce_min3A_50 = vector.multi_reduction <minsi>, %select_n3A_48, %reduce_min3A_49 [1] : vector<128x30xi32> to vector<128xi32>
    %broadcast_in_dim3A_51 = vector.shape_cast %reduce_min3A_50 : vector<128xi32> to vector<128x1xi32>
    %eq3A_52 = vector.broadcast %broadcast_in_dim3A_51 : vector<128x1xi32> to vector<128x30xi32>
    %eq3A_53 = arith.cmpi eq, %iota3A, %eq3A_52 : vector<128x30xi32>
    %convert_element_type3A_54 = arith.extui %eq3A_53 : vector<128x30xi1> to vector<128x30xi32>
    %convert_element_type3A_55 = arith.sitofp %convert_element_type3A_54 : vector<128x30xi32> to vector<128x30xf32>
    %add3A_56 = arith.addf %add3A, %convert_element_type3A_55 : vector<128x30xf32>
    %gt3A_57 = arith.constant 0.000000e+00 : f32
    %gt3A_58 = vector.broadcast %gt3A_57 : f32 to vector<128x30xf32>
    %gt3A_59 = arith.cmpf ogt, %convert_element_type3A_55, %gt3A_58 : vector<128x30xf32>
    %jit3A_60 = arith.constant 0xFF800000 : f32
    %broadcast_in_dim3A_61 = vector.broadcast %jit3A_60 : f32 to vector<128x30xf32>
    %select_n3A_62 = arith.select %gt3A_59, %broadcast_in_dim3A_61, %select_n3A_40 : vector<128x30xi1>, vector<128x30xf32>
    %reduce_max3A_63 = arith.constant dense<0xFF800000> : vector<128xf32>
    %reduce_max3A_64 = vector.multi_reduction <maximumf>, %select_n3A_62, %reduce_max3A_63 [1] : vector<128x30xf32> to vector<128xf32>
    %broadcast_in_dim3A_65 = vector.shape_cast %reduce_max3A_64 : vector<128xf32> to vector<128x1xf32>
    %eq3A_66 = vector.broadcast %broadcast_in_dim3A_65 : vector<128x1xf32> to vector<128x30xf32>
    %eq3A_67 = arith.cmpf oeq, %select_n3A_62, %eq3A_66 : vector<128x30xf32>
    %jit3A_68 = arith.constant 30 : i32
    %broadcast_in_dim3A_69 = vector.broadcast %jit3A_68 : i32 to vector<128x30xi32>
    %select_n3A_70 = arith.select %eq3A_67, %iota3A, %broadcast_in_dim3A_69 : vector<128x30xi1>, vector<128x30xi32>
    %reduce_min3A_71 = arith.constant dense<2147483647> : vector<128xi32>
    %reduce_min3A_72 = vector.multi_reduction <minsi>, %select_n3A_70, %reduce_min3A_71 [1] : vector<128x30xi32> to vector<128xi32>
    %broadcast_in_dim3A_73 = vector.shape_cast %reduce_min3A_72 : vector<128xi32> to vector<128x1xi32>
    %eq3A_74 = vector.broadcast %broadcast_in_dim3A_73 : vector<128x1xi32> to vector<128x30xi32>
    %eq3A_75 = arith.cmpi eq, %iota3A, %eq3A_74 : vector<128x30xi32>
    %convert_element_type3A_76 = arith.extui %eq3A_75 : vector<128x30xi1> to vector<128x30xi32>
    %convert_element_type3A_77 = arith.sitofp %convert_element_type3A_76 : vector<128x30xi32> to vector<128x30xf32>
    %add3A_78 = arith.addf %add3A_56, %convert_element_type3A_77 : vector<128x30xf32>
    %gt3A_79 = arith.constant 0.000000e+00 : f32
    %gt3A_80 = vector.broadcast %gt3A_79 : f32 to vector<128x30xf32>
    %gt3A_81 = arith.cmpf ogt, %convert_element_type3A_77, %gt3A_80 : vector<128x30xf32>
    %jit3A_82 = arith.constant 0xFF800000 : f32
    %broadcast_in_dim3A_83 = vector.broadcast %jit3A_82 : f32 to vector<128x30xf32>
    %select_n3A_84 = arith.select %gt3A_81, %broadcast_in_dim3A_83, %select_n3A_62 : vector<128x30xi1>, vector<128x30xf32>
    %reduce_max3A_85 = arith.constant dense<0xFF800000> : vector<128xf32>
    %reduce_max3A_86 = vector.multi_reduction <maximumf>, %select_n3A_84, %reduce_max3A_85 [1] : vector<128x30xf32> to vector<128xf32>
    %broadcast_in_dim3A_87 = vector.shape_cast %reduce_max3A_86 : vector<128xf32> to vector<128x1xf32>
    %eq3A_88 = vector.broadcast %broadcast_in_dim3A_87 : vector<128x1xf32> to vector<128x30xf32>
    %eq3A_89 = arith.cmpf oeq, %select_n3A_84, %eq3A_88 : vector<128x30xf32>
    %jit3A_90 = arith.constant 30 : i32
    %broadcast_in_dim3A_91 = vector.broadcast %jit3A_90 : i32 to vector<128x30xi32>
    %select_n3A_92 = arith.select %eq3A_89, %iota3A, %broadcast_in_dim3A_91 : vector<128x30xi1>, vector<128x30xi32>
    %reduce_min3A_93 = arith.constant dense<2147483647> : vector<128xi32>
    %reduce_min3A_94 = vector.multi_reduction <minsi>, %select_n3A_92, %reduce_min3A_93 [1] : vector<128x30xi32> to vector<128xi32>
    %broadcast_in_dim3A_95 = vector.shape_cast %reduce_min3A_94 : vector<128xi32> to vector<128x1xi32>
    %eq3A_96 = vector.broadcast %broadcast_in_dim3A_95 : vector<128x1xi32> to vector<128x30xi32>
    %eq3A_97 = arith.cmpi eq, %iota3A, %eq3A_96 : vector<128x30xi32>
    %convert_element_type3A_98 = arith.extui %eq3A_97 : vector<128x30xi1> to vector<128x30xi32>
    %convert_element_type3A_99 = arith.sitofp %convert_element_type3A_98 : vector<128x30xi32> to vector<128x30xf32>
    %add3A_100 = arith.addf %add3A_78, %convert_element_type3A_99 : vector<128x30xf32>
    %gt3A_101 = arith.constant 0.000000e+00 : f32
    %gt3A_102 = vector.broadcast %gt3A_101 : f32 to vector<128x30xf32>
    %gt3A_103 = arith.cmpf ogt, %convert_element_type3A_99, %gt3A_102 : vector<128x30xf32>
    %jit3A_104 = arith.constant 0xFF800000 : f32
    %broadcast_in_dim3A_105 = vector.broadcast %jit3A_104 : f32 to vector<128x30xf32>
    %select_n3A_106 = arith.select %gt3A_103, %broadcast_in_dim3A_105, %select_n3A_84 : vector<128x30xi1>, vector<128x30xf32>
    %reduce_max3A_107 = arith.constant dense<0xFF800000> : vector<128xf32>
    %reduce_max3A_108 = vector.multi_reduction <maximumf>, %select_n3A_106, %reduce_max3A_107 [1] : vector<128x30xf32> to vector<128xf32>
    %broadcast_in_dim3A_109 = vector.shape_cast %reduce_max3A_108 : vector<128xf32> to vector<128x1xf32>
    %eq3A_110 = vector.broadcast %broadcast_in_dim3A_109 : vector<128x1xf32> to vector<128x30xf32>
    %eq3A_111 = arith.cmpf oeq, %select_n3A_106, %eq3A_110 : vector<128x30xf32>
    %jit3A_112 = arith.constant 30 : i32
    %broadcast_in_dim3A_113 = vector.broadcast %jit3A_112 : i32 to vector<128x30xi32>
    %select_n3A_114 = arith.select %eq3A_111, %iota3A, %broadcast_in_dim3A_113 : vector<128x30xi1>, vector<128x30xi32>
    %reduce_min3A_115 = arith.constant dense<2147483647> : vector<128xi32>
    %reduce_min3A_116 = vector.multi_reduction <minsi>, %select_n3A_114, %reduce_min3A_115 [1] : vector<128x30xi32> to vector<128xi32>
    %broadcast_in_dim3A_117 = vector.shape_cast %reduce_min3A_116 : vector<128xi32> to vector<128x1xi32>
    %eq3A_118 = vector.broadcast %broadcast_in_dim3A_117 : vector<128x1xi32> to vector<128x30xi32>
    %eq3A_119 = arith.cmpi eq, %iota3A, %eq3A_118 : vector<128x30xi32>
    %convert_element_type3A_120 = arith.extui %eq3A_119 : vector<128x30xi1> to vector<128x30xi32>
    %convert_element_type3A_121 = arith.sitofp %convert_element_type3A_120 : vector<128x30xi32> to vector<128x30xf32>
    %add3A_122 = arith.addf %add3A_100, %convert_element_type3A_121 : vector<128x30xf32>
    %reduce_sum3A_123 = arith.constant dense<0.000000e+00> : vector<30xf32>
    %reduce_sum3A_124 = vector.multi_reduction <add>, %add3A_122, %reduce_sum3A_123 [0] : vector<128x30xf32> to vector<30xf32>
    %broadcast_in_dim3A_125 = vector.shape_cast %reduce_sum3A_124 : vector<30xf32> to vector<1x30xf32>
    %iota3A_126 = tpu.iota {dimensions = array<i32: 1>} : vector<1x30xi32>
    %iota3A_127 = tpu.iota {dimensions = array<i32: 1>} : vector<1x5xi32>
    %broadcast_in_dim3A_128 = arith.constant 0 : i32
    %broadcast_in_dim3A_129 = vector.broadcast %broadcast_in_dim3A_128 : i32 to vector<1x5xi32>
    %broadcast_in_dim3A_130 = arith.constant 0.000000e+00 : f32
    %broadcast_in_dim3A_131 = vector.broadcast %broadcast_in_dim3A_130 : f32 to vector<1x30xf32>
    %reduce_max3A_132 = arith.constant dense<0xFF800000> : vector<1xf32>
    %reduce_max3A_133 = vector.multi_reduction <maximumf>, %broadcast_in_dim3A_125, %reduce_max3A_132 [1] : vector<1x30xf32> to vector<1xf32>
    %broadcast_in_dim3A_134 = vector.shape_cast %reduce_max3A_133 : vector<1xf32> to vector<1x1xf32>
    %eq3A_135 = vector.broadcast %broadcast_in_dim3A_134 : vector<1x1xf32> to vector<1x30xf32>
    %eq3A_136 = arith.cmpf oeq, %broadcast_in_dim3A_125, %eq3A_135 : vector<1x30xf32>
    %jit3A_137 = arith.constant 30 : i32
    %broadcast_in_dim3A_138 = vector.broadcast %jit3A_137 : i32 to vector<1x30xi32>
    %select_n3A_139 = arith.select %eq3A_136, %iota3A_126, %broadcast_in_dim3A_138 : vector<1x30xi1>, vector<1x30xi32>
    %reduce_min3A_140 = arith.constant dense<2147483647> : vector<1xi32>
    %reduce_min3A_141 = vector.multi_reduction <minsi>, %select_n3A_139, %reduce_min3A_140 [1] : vector<1x30xi32> to vector<1xi32>
    %broadcast_in_dim3A_142 = vector.shape_cast %reduce_min3A_141 : vector<1xi32> to vector<1x1xi32>
    %eq3A_143 = vector.broadcast %broadcast_in_dim3A_142 : vector<1x1xi32> to vector<1x30xi32>
    %eq3A_144 = arith.cmpi eq, %iota3A_126, %eq3A_143 : vector<1x30xi32>
    %convert_element_type3A_145 = arith.extui %eq3A_144 : vector<1x30xi1> to vector<1x30xi32>
    %convert_element_type3A_146 = arith.sitofp %convert_element_type3A_145 : vector<1x30xi32> to vector<1x30xf32>
    %add3A_147 = arith.addf %broadcast_in_dim3A_131, %convert_element_type3A_146 : vector<1x30xf32>
    %eq3A_148 = arith.constant 0 : i32
    %eq3A_149 = vector.broadcast %eq3A_148 : i32 to vector<1x5xi32>
    %eq3A_150 = arith.cmpi eq, %iota3A_127, %eq3A_149 : vector<1x5xi32>
    %broadcast_in_dim3A_151 = vector.shape_cast %reduce_min3A_141 : vector<1xi32> to vector<1x1xi32>
    %broadcast_in_dim3A_152 = vector.shape_cast %broadcast_in_dim3A_151 : vector<1x1xi32> to vector<1x1xi32>
    %broadcast_in_dim3A_153 = vector.broadcast %broadcast_in_dim3A_152 : vector<1x1xi32> to vector<1x5xi32>
    %select_n3A_154 = arith.select %eq3A_150, %broadcast_in_dim3A_153, %broadcast_in_dim3A_129 : vector<1x5xi1>, vector<1x5xi32>
    %gt3A_155 = arith.constant 0.000000e+00 : f32
    %gt3A_156 = vector.broadcast %gt3A_155 : f32 to vector<1x30xf32>
    %gt3A_157 = arith.cmpf ogt, %convert_element_type3A_146, %gt3A_156 : vector<1x30xf32>
    %jit3A_158 = arith.constant -1.000000e+00 : f32
    %broadcast_in_dim3A_159 = vector.broadcast %jit3A_158 : f32 to vector<1x30xf32>
    %select_n3A_160 = arith.select %gt3A_157, %broadcast_in_dim3A_159, %broadcast_in_dim3A_125 : vector<1x30xi1>, vector<1x30xf32>
    %reduce_max3A_161 = arith.constant dense<0xFF800000> : vector<1xf32>
    %reduce_max3A_162 = vector.multi_reduction <maximumf>, %select_n3A_160, %reduce_max3A_161 [1] : vector<1x30xf32> to vector<1xf32>
    %broadcast_in_dim3A_163 = vector.shape_cast %reduce_max3A_162 : vector<1xf32> to vector<1x1xf32>
    %eq3A_164 = vector.broadcast %broadcast_in_dim3A_163 : vector<1x1xf32> to vector<1x30xf32>
    %eq3A_165 = arith.cmpf oeq, %select_n3A_160, %eq3A_164 : vector<1x30xf32>
    %jit3A_166 = arith.constant 30 : i32
    %broadcast_in_dim3A_167 = vector.broadcast %jit3A_166 : i32 to vector<1x30xi32>
    %select_n3A_168 = arith.select %eq3A_165, %iota3A_126, %broadcast_in_dim3A_167 : vector<1x30xi1>, vector<1x30xi32>
    %reduce_min3A_169 = arith.constant dense<2147483647> : vector<1xi32>
    %reduce_min3A_170 = vector.multi_reduction <minsi>, %select_n3A_168, %reduce_min3A_169 [1] : vector<1x30xi32> to vector<1xi32>
    %broadcast_in_dim3A_171 = vector.shape_cast %reduce_min3A_170 : vector<1xi32> to vector<1x1xi32>
    %eq3A_172 = vector.broadcast %broadcast_in_dim3A_171 : vector<1x1xi32> to vector<1x30xi32>
    %eq3A_173 = arith.cmpi eq, %iota3A_126, %eq3A_172 : vector<1x30xi32>
    %convert_element_type3A_174 = arith.extui %eq3A_173 : vector<1x30xi1> to vector<1x30xi32>
    %convert_element_type3A_175 = arith.sitofp %convert_element_type3A_174 : vector<1x30xi32> to vector<1x30xf32>
    %add3A_176 = arith.addf %add3A_147, %convert_element_type3A_175 : vector<1x30xf32>
    %eq3A_177 = arith.constant 1 : i32
    %eq3A_178 = vector.broadcast %eq3A_177 : i32 to vector<1x5xi32>
    %eq3A_179 = arith.cmpi eq, %iota3A_127, %eq3A_178 : vector<1x5xi32>
    %broadcast_in_dim3A_180 = vector.shape_cast %reduce_min3A_170 : vector<1xi32> to vector<1x1xi32>
    %broadcast_in_dim3A_181 = vector.shape_cast %broadcast_in_dim3A_180 : vector<1x1xi32> to vector<1x1xi32>
    %broadcast_in_dim3A_182 = vector.broadcast %broadcast_in_dim3A_181 : vector<1x1xi32> to vector<1x5xi32>
    %select_n3A_183 = arith.select %eq3A_179, %broadcast_in_dim3A_182, %select_n3A_154 : vector<1x5xi1>, vector<1x5xi32>
    %gt3A_184 = arith.constant 0.000000e+00 : f32
    %gt3A_185 = vector.broadcast %gt3A_184 : f32 to vector<1x30xf32>
    %gt3A_186 = arith.cmpf ogt, %convert_element_type3A_175, %gt3A_185 : vector<1x30xf32>
    %jit3A_187 = arith.constant -1.000000e+00 : f32
    %broadcast_in_dim3A_188 = vector.broadcast %jit3A_187 : f32 to vector<1x30xf32>
    %select_n3A_189 = arith.select %gt3A_186, %broadcast_in_dim3A_188, %select_n3A_160 : vector<1x30xi1>, vector<1x30xf32>
    %reduce_max3A_190 = arith.constant dense<0xFF800000> : vector<1xf32>
    %reduce_max3A_191 = vector.multi_reduction <maximumf>, %select_n3A_189, %reduce_max3A_190 [1] : vector<1x30xf32> to vector<1xf32>
    %broadcast_in_dim3A_192 = vector.shape_cast %reduce_max3A_191 : vector<1xf32> to vector<1x1xf32>
    %eq3A_193 = vector.broadcast %broadcast_in_dim3A_192 : vector<1x1xf32> to vector<1x30xf32>
    %eq3A_194 = arith.cmpf oeq, %select_n3A_189, %eq3A_193 : vector<1x30xf32>
    %jit3A_195 = arith.constant 30 : i32
    %broadcast_in_dim3A_196 = vector.broadcast %jit3A_195 : i32 to vector<1x30xi32>
    %select_n3A_197 = arith.select %eq3A_194, %iota3A_126, %broadcast_in_dim3A_196 : vector<1x30xi1>, vector<1x30xi32>
    %reduce_min3A_198 = arith.constant dense<2147483647> : vector<1xi32>
    %reduce_min3A_199 = vector.multi_reduction <minsi>, %select_n3A_197, %reduce_min3A_198 [1] : vector<1x30xi32> to vector<1xi32>
    %broadcast_in_dim3A_200 = vector.shape_cast %reduce_min3A_199 : vector<1xi32> to vector<1x1xi32>
    %eq3A_201 = vector.broadcast %broadcast_in_dim3A_200 : vector<1x1xi32> to vector<1x30xi32>
    %eq3A_202 = arith.cmpi eq, %iota3A_126, %eq3A_201 : vector<1x30xi32>
    %convert_element_type3A_203 = arith.extui %eq3A_202 : vector<1x30xi1> to vector<1x30xi32>
    %convert_element_type3A_204 = arith.sitofp %convert_element_type3A_203 : vector<1x30xi32> to vector<1x30xf32>
    %add3A_205 = arith.addf %add3A_176, %convert_element_type3A_204 : vector<1x30xf32>
    %eq3A_206 = arith.constant 2 : i32
    %eq3A_207 = vector.broadcast %eq3A_206 : i32 to vector<1x5xi32>
    %eq3A_208 = arith.cmpi eq, %iota3A_127, %eq3A_207 : vector<1x5xi32>
    %broadcast_in_dim3A_209 = vector.shape_cast %reduce_min3A_199 : vector<1xi32> to vector<1x1xi32>
    %broadcast_in_dim3A_210 = vector.shape_cast %broadcast_in_dim3A_209 : vector<1x1xi32> to vector<1x1xi32>
    %broadcast_in_dim3A_211 = vector.broadcast %broadcast_in_dim3A_210 : vector<1x1xi32> to vector<1x5xi32>
    %select_n3A_212 = arith.select %eq3A_208, %broadcast_in_dim3A_211, %select_n3A_183 : vector<1x5xi1>, vector<1x5xi32>
    %gt3A_213 = arith.constant 0.000000e+00 : f32
    %gt3A_214 = vector.broadcast %gt3A_213 : f32 to vector<1x30xf32>
    %gt3A_215 = arith.cmpf ogt, %convert_element_type3A_204, %gt3A_214 : vector<1x30xf32>
    %jit3A_216 = arith.constant -1.000000e+00 : f32
    %broadcast_in_dim3A_217 = vector.broadcast %jit3A_216 : f32 to vector<1x30xf32>
    %select_n3A_218 = arith.select %gt3A_215, %broadcast_in_dim3A_217, %select_n3A_189 : vector<1x30xi1>, vector<1x30xf32>
    %reduce_max3A_219 = arith.constant dense<0xFF800000> : vector<1xf32>
    %reduce_max3A_220 = vector.multi_reduction <maximumf>, %select_n3A_218, %reduce_max3A_219 [1] : vector<1x30xf32> to vector<1xf32>
    %broadcast_in_dim3A_221 = vector.shape_cast %reduce_max3A_220 : vector<1xf32> to vector<1x1xf32>
    %eq3A_222 = vector.broadcast %broadcast_in_dim3A_221 : vector<1x1xf32> to vector<1x30xf32>
    %eq3A_223 = arith.cmpf oeq, %select_n3A_218, %eq3A_222 : vector<1x30xf32>
    %jit3A_224 = arith.constant 30 : i32
    %broadcast_in_dim3A_225 = vector.broadcast %jit3A_224 : i32 to vector<1x30xi32>
    %select_n3A_226 = arith.select %eq3A_223, %iota3A_126, %broadcast_in_dim3A_225 : vector<1x30xi1>, vector<1x30xi32>
    %reduce_min3A_227 = arith.constant dense<2147483647> : vector<1xi32>
    %reduce_min3A_228 = vector.multi_reduction <minsi>, %select_n3A_226, %reduce_min3A_227 [1] : vector<1x30xi32> to vector<1xi32>
    %broadcast_in_dim3A_229 = vector.shape_cast %reduce_min3A_228 : vector<1xi32> to vector<1x1xi32>
    %eq3A_230 = vector.broadcast %broadcast_in_dim3A_229 : vector<1x1xi32> to vector<1x30xi32>
    %eq3A_231 = arith.cmpi eq, %iota3A_126, %eq3A_230 : vector<1x30xi32>
    %convert_element_type3A_232 = arith.extui %eq3A_231 : vector<1x30xi1> to vector<1x30xi32>
    %convert_element_type3A_233 = arith.sitofp %convert_element_type3A_232 : vector<1x30xi32> to vector<1x30xf32>
    %add3A_234 = arith.addf %add3A_205, %convert_element_type3A_233 : vector<1x30xf32>
    %eq3A_235 = arith.constant 3 : i32
    %eq3A_236 = vector.broadcast %eq3A_235 : i32 to vector<1x5xi32>
    %eq3A_237 = arith.cmpi eq, %iota3A_127, %eq3A_236 : vector<1x5xi32>
    %broadcast_in_dim3A_238 = vector.shape_cast %reduce_min3A_228 : vector<1xi32> to vector<1x1xi32>
    %broadcast_in_dim3A_239 = vector.shape_cast %broadcast_in_dim3A_238 : vector<1x1xi32> to vector<1x1xi32>
    %broadcast_in_dim3A_240 = vector.broadcast %broadcast_in_dim3A_239 : vector<1x1xi32> to vector<1x5xi32>
    %select_n3A_241 = arith.select %eq3A_237, %broadcast_in_dim3A_240, %select_n3A_212 : vector<1x5xi1>, vector<1x5xi32>
    %gt3A_242 = arith.constant 0.000000e+00 : f32
    %gt3A_243 = vector.broadcast %gt3A_242 : f32 to vector<1x30xf32>
    %gt3A_244 = arith.cmpf ogt, %convert_element_type3A_233, %gt3A_243 : vector<1x30xf32>
    %jit3A_245 = arith.constant -1.000000e+00 : f32
    %broadcast_in_dim3A_246 = vector.broadcast %jit3A_245 : f32 to vector<1x30xf32>
    %select_n3A_247 = arith.select %gt3A_244, %broadcast_in_dim3A_246, %select_n3A_218 : vector<1x30xi1>, vector<1x30xf32>
    %reduce_max3A_248 = arith.constant dense<0xFF800000> : vector<1xf32>
    %reduce_max3A_249 = vector.multi_reduction <maximumf>, %select_n3A_247, %reduce_max3A_248 [1] : vector<1x30xf32> to vector<1xf32>
    %broadcast_in_dim3A_250 = vector.shape_cast %reduce_max3A_249 : vector<1xf32> to vector<1x1xf32>
    %eq3A_251 = vector.broadcast %broadcast_in_dim3A_250 : vector<1x1xf32> to vector<1x30xf32>
    %eq3A_252 = arith.cmpf oeq, %select_n3A_247, %eq3A_251 : vector<1x30xf32>
    %jit3A_253 = arith.constant 30 : i32
    %broadcast_in_dim3A_254 = vector.broadcast %jit3A_253 : i32 to vector<1x30xi32>
    %select_n3A_255 = arith.select %eq3A_252, %iota3A_126, %broadcast_in_dim3A_254 : vector<1x30xi1>, vector<1x30xi32>
    %reduce_min3A_256 = arith.constant dense<2147483647> : vector<1xi32>
    %reduce_min3A_257 = vector.multi_reduction <minsi>, %select_n3A_255, %reduce_min3A_256 [1] : vector<1x30xi32> to vector<1xi32>
    %broadcast_in_dim3A_258 = vector.shape_cast %reduce_min3A_257 : vector<1xi32> to vector<1x1xi32>
    %eq3A_259 = vector.broadcast %broadcast_in_dim3A_258 : vector<1x1xi32> to vector<1x30xi32>
    %eq3A_260 = arith.cmpi eq, %iota3A_126, %eq3A_259 : vector<1x30xi32>
    %convert_element_type3A_261 = arith.extui %eq3A_260 : vector<1x30xi1> to vector<1x30xi32>
    %convert_element_type3A_262 = arith.sitofp %convert_element_type3A_261 : vector<1x30xi32> to vector<1x30xf32>
    %add3A_263 = arith.addf %add3A_234, %convert_element_type3A_262 : vector<1x30xf32>
    %eq3A_264 = arith.constant 4 : i32
    %eq3A_265 = vector.broadcast %eq3A_264 : i32 to vector<1x5xi32>
    %eq3A_266 = arith.cmpi eq, %iota3A_127, %eq3A_265 : vector<1x5xi32>
    %broadcast_in_dim3A_267 = vector.shape_cast %reduce_min3A_257 : vector<1xi32> to vector<1x1xi32>
    %broadcast_in_dim3A_268 = vector.shape_cast %broadcast_in_dim3A_267 : vector<1x1xi32> to vector<1x1xi32>
    %broadcast_in_dim3A_269 = vector.broadcast %broadcast_in_dim3A_268 : vector<1x1xi32> to vector<1x5xi32>
    %select_n3A_270 = arith.select %eq3A_266, %broadcast_in_dim3A_269, %select_n3A_241 : vector<1x5xi1>, vector<1x5xi32>
    %broadcast_in_dim3A_271 = vector.shape_cast %select_n3A_270 : vector<1x5xi32> to vector<1x5xi32>
    %broadcast_in_dim3A_272 = vector.broadcast %broadcast_in_dim3A_271 : vector<1x5xi32> to vector<128x5xi32>
    %swap3A_273 = arith.constant 0 : index
    %swap3A_274 = arith.constant 0 : index
    %swap3A_275 = vector.load %arg7[%swap3A_273, %swap3A_274] : memref<128x5xi32, #tpu.memory_space<vmem>>, vector<128x5xi32>
    tpu.vector_store %arg7[%swap3A_273, %swap3A_274], %broadcast_in_dim3A_272 {strides = array<i32>} : memref<128x5xi32, #tpu.memory_space<vmem>>, vector<128x5xi32>,
    %reduce_sum3A_276 = arith.constant dense<0.000000e+00> : vector<30xf32>
    %reduce_sum3A_277 = vector.multi_reduction <add>, %dot_general3A_22, %reduce_sum3A_276 [0] : vector<128x30xf32> to vector<30xf32>
    %broadcast_in_dim3A_278 = vector.shape_cast %reduce_sum3A_277 : vector<30xf32> to vector<1x30xf32>
    %mul3A_279 = arith.mulf %broadcast_in_dim3A_278, %add3A_263 : vector<1x30xf32>
    %reduce_sum3A_280 = arith.constant dense<0.000000e+00> : vector<1xf32>
    %reduce_sum3A_281 = vector.multi_reduction <add>, %mul3A_279, %reduce_sum3A_280 [1] : vector<1x30xf32> to vector<1xf32>
    %broadcast_in_dim3A_282 = vector.shape_cast %reduce_sum3A_281 : vector<1xf32> to vector<1x1xf32>
    %div3A = arith.constant 1.280000e+02 : f32
    %div3A_283 = vector.broadcast %div3A : f32 to vector<1x1xf32>
    %div3A_284 = arith.divf %broadcast_in_dim3A_282, %div3A_283 : vector<1x1xf32>
    %swap3A_285 = arith.constant 0 : index
    %swap3A_286 = arith.constant 0 : index
    %swap3A_287 = vector.load %arg8[%swap3A_285, %swap3A_286] : memref<1x1xf32, #tpu.memory_space<vmem>>, vector<1x1xf32>
    tpu.vector_store %arg8[%swap3A_285, %swap3A_286], %div3A_284 {strides = array<i32>} : memref<1x1xf32, #tpu.memory_space<vmem>>, vector<1x1xf32>,
    %slice3A = vector.extract_strided_slice %select_n3A_270 {offsets = [0, 0], sizes = [1, 1], strides = [1, 1]} : vector<1x5xi32> to vector<1x1xi32>
    %squeeze3A = vector.extract %slice3A[0, 0] : i32 from vector<1x1xi32>
    %get3A_288 = arith.index_cast %squeeze3A : i32 to index
    %get3A_289 = arith.constant 0 : index
    %get3A_290 = vector.load %arg3[%get3A_288, %get3A_289] : memref<30x3840xf32, #tpu.memory_space<vmem>>, vector<1x3840xf32>
    %broadcast_in_dim3A_291 = vector.shape_cast %get3A_290 : vector<1x3840xf32> to vector<1x3840xf32>
    %broadcast_in_dim3A_292 = vector.broadcast %broadcast_in_dim3A_291 : vector<1x3840xf32> to vector<128x3840xf32>
    %swap3A_293 = arith.constant 0 : index
    %swap3A_294 = arith.constant 0 : index
    %swap3A_295 = vector.load %arg5[%swap3A_293, %swap3A_294] : memref<128x19200xf32, #tpu.memory_space<vmem>>, vector<128x3840xf32>
    tpu.vector_store %arg5[%swap3A_293, %swap3A_294], %broadcast_in_dim3A_292 {strides = array<i32>} : memref<128x19200xf32, #tpu.memory_space<vmem>>, vector<128x3840xf32>,
    %slice3A_296 = vector.extract_strided_slice %select_n3A_270 {offsets = [0, 1], sizes = [1, 1], strides = [1, 1]} : vector<1x5xi32> to vector<1x1xi32>
    %squeeze3A_297 = vector.extract %slice3A_296[0, 0] : i32 from vector<1x1xi32>
    %get3A_298 = arith.index_cast %squeeze3A_297 : i32 to index
    %get3A_299 = arith.constant 0 : index
    %get3A_300 = vector.load %arg3[%get3A_298, %get3A_299] : memref<30x3840xf32, #tpu.memory_space<vmem>>, vector<1x3840xf32>
    %broadcast_in_dim3A_301 = vector.shape_cast %get3A_300 : vector<1x3840xf32> to vector<1x3840xf32>
    %broadcast_in_dim3A_302 = vector.broadcast %broadcast_in_dim3A_301 : vector<1x3840xf32> to vector<128x3840xf32>
    %swap3A_303 = arith.constant 0 : index
    %swap3A_304 = arith.constant 3840 : index
    %swap3A_305 = vector.load %arg5[%swap3A_303, %swap3A_304] : memref<128x19200xf32, #tpu.memory_space<vmem>>, vector<128x3840xf32>
    tpu.vector_store %arg5[%swap3A_303, %swap3A_304], %broadcast_in_dim3A_302 {strides = array<i32>} : memref<128x19200xf32, #tpu.memory_space<vmem>>, vector<128x3840xf32>,
    %slice3A_306 = vector.extract_strided_slice %select_n3A_270 {offsets = [0, 2], sizes = [1, 1], strides = [1, 1]} : vector<1x5xi32> to vector<1x1xi32>
    %squeeze3A_307 = vector.extract %slice3A_306[0, 0] : i32 from vector<1x1xi32>
    %get3A_308 = arith.index_cast %squeeze3A_307 : i32 to index
    %get3A_309 = arith.constant 0 : index
    %get3A_310 = vector.load %arg3[%get3A_308, %get3A_309] : memref<30x3840xf32, #tpu.memory_space<vmem>>, vector<1x3840xf32>
    %broadcast_in_dim3A_311 = vector.shape_cast %get3A_310 : vector<1x3840xf32> to vector<1x3840xf32>
    %broadcast_in_dim3A_312 = vector.broadcast %broadcast_in_dim3A_311 : vector<1x3840xf32> to vector<128x3840xf32>
    %swap3A_313 = arith.constant 0 : index
    %swap3A_314 = arith.constant 7680 : index
    %swap3A_315 = vector.load %arg5[%swap3A_313, %swap3A_314] : memref<128x19200xf32, #tpu.memory_space<vmem>>, vector<128x3840xf32>
    tpu.vector_store %arg5[%swap3A_313, %swap3A_314], %broadcast_in_dim3A_312 {strides = array<i32>} : memref<128x19200xf32, #tpu.memory_space<vmem>>, vector<128x3840xf32>,
    %slice3A_316 = vector.extract_strided_slice %select_n3A_270 {offsets = [0, 3], sizes = [1, 1], strides = [1, 1]} : vector<1x5xi32> to vector<1x1xi32>
    %squeeze3A_317 = vector.extract %slice3A_316[0, 0] : i32 from vector<1x1xi32>
    %get3A_318 = arith.index_cast %squeeze3A_317 : i32 to index
    %get3A_319 = arith.constant 0 : index
    %get3A_320 = vector.load %arg3[%get3A_318, %get3A_319] : memref<30x3840xf32, #tpu.memory_space<vmem>>, vector<1x3840xf32>
    %broadcast_in_dim3A_321 = vector.shape_cast %get3A_320 : vector<1x3840xf32> to vector<1x3840xf32>
    %broadcast_in_dim3A_322 = vector.broadcast %broadcast_in_dim3A_321 : vector<1x3840xf32> to vector<128x3840xf32>
    %swap3A_323 = arith.constant 0 : index
    %swap3A_324 = arith.constant 11520 : index
    %swap3A_325 = vector.load %arg5[%swap3A_323, %swap3A_324] : memref<128x19200xf32, #tpu.memory_space<vmem>>, vector<128x3840xf32>
    tpu.vector_store %arg5[%swap3A_323, %swap3A_324], %broadcast_in_dim3A_322 {strides = array<i32>} : memref<128x19200xf32, #tpu.memory_space<vmem>>, vector<128x3840xf32>,
    %slice3A_326 = vector.extract_strided_slice %select_n3A_270 {offsets = [0, 4], sizes = [1, 1], strides = [1, 1]} : vector<1x5xi32> to vector<1x1xi32>
    %squeeze3A_327 = vector.extract %slice3A_326[0, 0] : i32 from vector<1x1xi32>
    %get3A_328 = arith.index_cast %squeeze3A_327 : i32 to index
    %get3A_329 = arith.constant 0 : index
    %get3A_330 = vector.load %arg3[%get3A_328, %get3A_329] : memref<30x3840xf32, #tpu.memory_space<vmem>>, vector<1x3840xf32>
    %broadcast_in_dim3A_331 = vector.shape_cast %get3A_330 : vector<1x3840xf32> to vector<1x3840xf32>
    %broadcast_in_dim3A_332 = vector.broadcast %broadcast_in_dim3A_331 : vector<1x3840xf32> to vector<128x3840xf32>
    %swap3A_333 = arith.constant 0 : index
    %swap3A_334 = arith.constant 15360 : index
    %swap3A_335 = vector.load %arg5[%swap3A_333, %swap3A_334] : memref<128x19200xf32, #tpu.memory_space<vmem>>, vector<128x3840xf32>
    tpu.vector_store %arg5[%swap3A_333, %swap3A_334], %broadcast_in_dim3A_332 {strides = array<i32>} : memref<128x19200xf32, #tpu.memory_space<vmem>>, vector<128x3840xf32>,
    return
  }
  func.func @transform_0(%arg0: i32) -> (i32, i32, i32) {
    %c0_i32 = arith.constant 0 : i32
    %c0_i32_0 = arith.constant 0 : i32
    %c0_i32_1 = arith.constant 0 : i32
    %c0_i32_2 = arith.constant 0 : i32
    return %c0_i32, %c0_i32_0, %c0_i32_1 : i32, i32, i32
  }
  func.func @transform_1(%arg0: i32) -> (i32, i32) {
    %c0_i32 = arith.constant 0 : i32
    %c0_i32_0 = arith.constant 0 : i32
    %c0_i32_1 = arith.constant 0 : i32
    return %c0_i32, %c0_i32_0 : i32, i32
  }
  func.func @transform_2(%arg0: i32) -> (i32, i32) {
    %c0_i32 = arith.constant 0 : i32
    %c0_i32_0 = arith.constant 0 : i32
    %c0_i32_1 = arith.constant 0 : i32
    return %c0_i32, %c0_i32_0 : i32, i32
  }
  func.func @transform_4(%arg0: i32) -> (i32, i32) {
    %c0_i32 = arith.constant 0 : i32
    %c0_i32_0 = arith.constant 0 : i32
    %c0_i32_1 = arith.constant 0 : i32
    return %c0_i32, %c0_i32_0 : i32, i32
  }
  func.func @transform_5(%arg0: i32) -> (i32, i32) {
    %c0_i32 = arith.constant 0 : i32
    %c0_i32_0 = arith.constant 0 : i32
    %c0_i32_1 = arith.constant 0 : i32
    return %c0_i32, %c0_i32_0 : i32, i32
  }
  func.func @transform_6(%arg0: i32) -> (i32, i32) {
    %c0_i32 = arith.constant 0 : i32
    %c0_i32_0 = arith.constant 0 : i32
    %c0_i32_1 = arith.constant 0 : i32
    return %c0_i32, %c0_i32_0 : i32, i32
  }
  func.func @transform_7(%arg0: i32) -> (i32, i32) {
    %c0_i32 = arith.constant 0 : i32
    %c0_i32_0 = arith.constant 0 : i32
    %c0_i32_1 = arith.constant 0 : i32
    return %c0_i32, %c0_i32_0 : i32, i32
  }
}

</mosaic_0001>

<sc_bundles>
// kernel: sparse-core-data-format-call.cloned.1.call-start
scs
called_computation_lowered:
.L_overlay_start_0:
0x0: {  	s2 =	sld [smem:$0x3FD9]  }
0x1: {  	s3 =	sld [smem:$0x3FFE];
	_ =	sdelay $0x1  }
0x2: {  	s1 =	srdreg.scid  }
0x3: {  	s0 =	sand.u32 $0x1, s1  }
0x4: {  	s15 =	sshll.u32 s0, $0xA;
	s2 =	sadd.s32 s3, s2  }
0x5: {  	s2 =	sadd.s32 s2, s15  }
0x6: {  	[smem:$0x3FC5] =	sst s2  }
0x7: {  	_ = 	snop  }
0x8: {  	s2 =	sld [smem:$0x3FD0];
	_ =	sdelay $0x2  }
0x9: {  	s16 =	simm.s32 $0xA;
	s4 =	simm.s32 $0x10  }
0xa: {  	[smem:s4], [sflag:s16] =	dma.local [hbm:s2], $0x1  }
0xb: {  	_ =	swait.eq [sflag:s16], $0x1  }
0xc: {  	[sflag:s16] =	ssyncset.done $0x0  }
0xd: {  	[sflag:s16] =	ssyncadd.s32 $0xFFFFFFFF  }
0xe: {  	s17 =	sld [smem:$0x10];
	(tm) =	ssettm $0x1  }
0xf: {  	s18 =	sld [smem:$0x3FFB];
	_ =	sdelay $0x3  }
0x10: {  	_ =	strace s18  }
0x11: {  	s3 =	sld [smem:$0x3FFC];
	_ =	sdelay $0x3  }
0x12: {  	_ =	strace s3  }
0x13: {  	s3 =	sld [smem:$0x3FFD];
	_ =	sdelay $0x3  }
0x14: {  	_ =	strace s3  }
0x15: {  	_ =	strace $0x8FFFFFFF  }
0x16: {  	s19 =	sld [smem:$0x3FDB];
	_ =	sdelay $0x1  }
0x17: {  	s20 =	simm.s32 $_scs_section_size  }
0x18: {  	s5 =	simm.s32 $_size__tile_overlayer_lowered;
	s6 =	simm.s32 $_tile_overlayer_lowered  }
0x19: {  	s23 =	simm.s32 $0x1BFF;
	s22 =	sshll.u32 s6, $0x1;
	s3 =	sadd.s32 s20, s19  }
0x1a: {  	s7 =	simm.s32 $0x0;
	s21 =	sshll.u32 s5, $0x1;
	s5 =	sadd.s32 s22, s3  }
0x1b: {  	[timem:s7], [sflag:s23] =	dma.local [hbm:s5], s21  }
0x1c: {  	_ =	swait.ge [sflag:s23], s21  }
0x1d: {  	s4 =	ssub.s32 $0x0, s21;
	[sflag:s23] =	ssyncset.done $0x0  }
0x1e: {  	[sflag:s23] =	ssyncadd.s32 s4;
	_ =	sdelay $0x1  }
0x1f: {  	s24 =	simm.s32 $0x1B8B  }
0x20: {  	_ =	swait.ge [sflag:s24], $0x1  }
0x21: {  	[sflag:s24] =	ssyncset.done $0x0  }
0x22: {  	s26 =	simm.s32 $0x1B8E;
	s25 =	sld [smem:$0x3FFE];
	[sflag:s24] =	ssyncadd.s32 $0xFFFFFFFF  }
0x23: {  	s27 =	simm.s32 $execute0_lowered;
	[smem:$0x3FD2] =	sst s26  }
0x24: {  	s5 =	sshll.u32 s27, $0x1;
	_ =	strace $0x80000046;
	[dreg:$0x1] =	wrdreg $0xFFFFFFFF  }
0x25: {  	s28 =	simm.s32 $_size_execute0_lowered;
	s3 =	sadd.s32 s3, s5;
	[dreg:$0x0] =	wrdreg $0x0  }
0x26: {  	s5 =	sshll.u32 s28, $0x1;
	[dreg:$0x2] =	wrdreg s3  }
0x27: {  	[dreg:$0x3] =	wrdreg s5  }
0x28: {  	[dreg:$0x4] =	wrdreg $0xC0  }
0x29: {  	_ =	task [dreg:s7], $0x5FFFF  }
0x2a: {  	[dreg:$0x1] =	wrdreg $0xFFFFFFFF  }
0x2b: {  	[dreg:$0x0] =	wrdreg $0x60  }
0x2c: {  	[dreg:$0x2] =	wrdreg s25  }
0x2d: {  	[dreg:$0x3] =	wrdreg s17  }
0x2e: {  	[dreg:$0x4] =	wrdreg $0x9  }
0x2f: {  	_ =	task.clear_ibuf [dreg:s7], $0x5FFFF;
	_ =	strace $0x90000046  }
0x30: {  	s29 =	simm.s32 $0x9;
	_ =	strace $0x80000048  }
0x31: {  	_ =	swait.ge [sflag:s29], $0x1  }
0x32: {  	[sflag:s29] =	ssyncadd.s32 $0xFFFFFFFF  }
0x33: {  	_ =	strace $0x90000048  }
0x34: {  	_ =	sfence  }
0x35: {  	s30 =	sld [smem:$0x0];
	_ =	sdelay $0x2  }
0x36: {  	s31 =	sshll.u32 s1, $0xD;
	s1 =	sshrl.u32 s1, $0x2  }
0x37: {  	s3 =	sand.u32 $0x4000, s31;
	s1 =	sadd.s32 s1, s30  }
0x38: {  	s0 =	sor.u32 s3, s0;
	s1 =	sshll.u32 s1, $0x11  }
0x39: {  	s0 =	sor.u32 s1, s0  }
0x3a: {  	s0 =	sadd.s32 $0x8F2B, s0  }
0x3b: {  	[sflag:s0] =	ssyncadd.remote.s32 $0x1  }
0x3c: {  	_ =	sfence.sel $0xFFFF  }
0x3d: {  	[dreg:$0x0] =	wrdreg $0xFFFFFFFF;
	(pc) =	sbr.abs _section_cstart, $3  }
0x3e: {  	[dreg:$0x1] =	wrdreg $0xFFFFFFFF  }
0x3f: {  	_ =	task.clear_ibuf [dreg:s7], $0x2FFFF;
	_ =	strace $0x9FFFFFFF  }
0x40: {  	(tm) =	ssettm $0x7FFFFFFF  }
0x41: {  	_ =	shalt  }
tec
execute0_lowered:
.L_overlay_start_1:
0x0: {  	(tag) =	ssettag $0x1  }
0x1: {  	s0 =	srdreg.scid;
	s6 =	rddreg [dreg:$0x0]  }
0x2: {  	s3 =	rddreg [dreg:$0x1];
	s7 =	simm.s32 $0x2;
	s1 =	sshll.u32 s0, $0x4  }
0x3: {  	s13 =	simm.s32 $0x0;
	s0 =	stileid.u32;
	s1 =	sand.u32 $0x10, s1  }
0x4: {  	p0 =	por $0x0, $0x0;
	s8 =	simm.s32 $0x1800;
	s2 =	sor.u32 s0, s1  }
.Ltmp0:
0x5: {  	s12 =	simm.s32 $0x0;
	s4 =	ssub.s32 $0xFD, s2;
	(pc) =	sbr.rel .LBB1_1-.Ltmp0, $4  }
0x6: {  	s9 =	simm.s32 $0x0;
	s1 =	rddreg [dreg:$0x2];
	s5 =	sshrl.u32 s4, $0x5  }
0x7: {  	_ =	strace $0x80000047;
	s4 =	simm.s32 $0x1;
	s5 =	smul.u32 $0x6, s5  }
0x8: {  	s11 =	simm.s32 $0x0;
	s6 =	sadd.s32 $0x29C400, s6;
	[sflag:s4] =	ssyncpa.u1 $0x0  }
0x9: {  	s10 =	smov.u32 s2;
	[sflag:s7] =	ssyncpa.u1 $0x0;
	s7 =	sor.u32 $0x1, s5  }
.LBB1_4:
0xa: {  	v5 =	vld [tilespmem:s17+$0xFFFFFFD0];
	[tilespmem:s16+$0x2040 ss:$0x81] =	vst.msk $0xffff, v3;
	s19 =	sshll.u32 s13, $0x3  }
0xb: {  	v58 =	vld [tilespmem:s17+$0xFFFFFFE0];
	[tilespmem:s16+$0x2850 ss:$0x81] =	vst.msk $0xffff, v4;
	s24 =	sand.u32 $0x7F, s13;
	s19 =	sand.u32 $0xFFFFFC00, s19  }
0xc: {  	s18 =	sshra.s32 s18, $0x2;
	v59 =	vld [tilespmem:s17+$0xFFFFFFF0];
	[tilespmem:s16+$0x3060 ss:$0x81] =	vst.msk $0xffff, v2;
	s13 =	sor.u32 s24, s19  }
0xd: {  	v60 =	vld [tilespmem:s17+$0x0];
	[tilespmem:s16+$0x0 ss:$0x81] =	vst.msk $0xffff, v0;
	s15 =	sadd.s32 s18, s15;
	s25 =	smulhi.u32 $0xAAAAAAAB, s13  }
0xe: {  	v61 =	vld [tilespmem:s17+$0x10];
	[tilespmem:s15+$0x3870 ss:$0x81] =	vst.msk $0xffff, v1;
	s26 =	smulhi.u32 $0xAAAAAAAB, s19  }
0xf: {  	v62 =	vld [tilespmem:s17+$0x20];
	[tilespmem:s15+$0x810 ss:$0x81] =	vst.msk $0xffff, v5;
	s16 =	sshrl.u32 s25, $0x9  }
0x10: {  	v63 =	vld [tilespmem:s17+$0xFFFFFFC0];
	s27 =	sshrl.u32 s26, $0x9;
	[tilespmem:s15+$0x1020 ss:$0x81] =	vst.msk $0xffff, v58;
	s16 =	smul.u32 $0x300, s16  }
0x11: {  	s12 =	smul.u32 $0x3000, s12;
	[tilespmem:s15+$0x1830 ss:$0x81] =	vst.msk $0xffff, v59;
	s17 =	sand.u32 $0x7F, s27  }
0x12: {  	[tilespmem:s15+$0x2040 ss:$0x81] =	vst.msk $0xffff, v60;
	s28 =	smul.u32 $0x60, s17;
	s13 =	ssub.s32 s13, s16  }
0x13: {  	s12 =	sadd.s32 s3, s12;
	[tilespmem:s15+$0x2850 ss:$0x81] =	vst.msk $0xffff, v61;
	s29 =	sand.u32 $0x7, s13  }
0x14: {  	[tilespmem:s15+$0x3060 ss:$0x81] =	vst.msk $0xffff, v62;
	s12 =	sadd.s32 s28, s12;
	s13 =	sshrl.u32 s13, $0x3;
	s30 =	sshll.u32 s29, $0x12  }
0x15: {  	[tilespmem:s15+$0x0 ss:$0x81] =	vst.msk $0xffff, v63;
	s12 =	sadd.s32 s13, s12;
	s31 =	sor.u32 $0x400, s30  }
0x16: {  	[hbm4b:s12+s31] =	stream.strided.scatter [tilespmem:s14], [sflag:$0x2], $0x4000, s8, s31, $0x20;
	[tilespmem:$0x10100] =	vst v63  }
.LBB1_5:
0x17: {  	s14 =	sadd.s32 $0x80, s9  }
0x18: {  	s12 =	sadd.s32 $0x20, s10;
	s16 =	smov.u32 s10;
	p2 =	sgt.s32 s14, $0x2FF  }
0x19: {  	s16 =	smov.u32 @p2 s12  }
0x1a: {  	s14 =	simm.s32 @p2 $0x0;
	p2 =	sgt.s32 s16, $0xDD  }
0x1b: {  	s16 =	smov.u32 @p2 s2;
	p2 =	sne.s32 s11, s7  }
.Ltmp1:
0x1c: {  	p1 =	slt.u32 s11, $0x2;
	(pc) =	sbr.rel @!p2 .LBB1_6-.Ltmp1, $4  }
0x1d: {  	s15 =	simm.s32 @!p1 $0x2  }
0x1e: {  	s13 =	smov.u32 s9;
	p0 =	por !p0, !p0;
	_ =	swait.ge @!p1 [sflag:s15], $0x4000  }
0x1f: {  	s12 =	smov.u32 s10;
	[sflag:s15] =	ssyncset.done @!p1 $0x0;
	s9 =	smov.u32 s14  }
0x20: {  	s11 =	sadd.s32 $0x1, s11;
	[sflag:s15] =	ssyncadd.s32 @!p1 $0xFFFFC000;
	s10 =	smov.u32 s16  }
.LBB1_1:
0x21: {  	p1 =	sge.u32 s11, s5  }
0x22: {  	s14 =	sand.u32 @!p1 $0x1FFFFFF, s9  }
0x23: {  	s15 =	smulhi.u32 @!p1 $0xAAAAAB, s14;
	_ =	sdelay $0x1  }
0x24: {  	s15 =	sshrl.u32 @!p1 s15, $0x1  }
0x25: {  	s15 =	smul.u32 @!p1 $0x300, s15  }
0x26: {  	s16 =	smul.u32 @!p1 $0x3000, s10  }
0x27: {  	s31 =	sadd.s32 $0xFFFFFFFF, s11;
	s14 =	ssub.s32 @!p1 s14, s15;
	s15 =	sxor.u32 @!p1 $0xFFFFFFFF, s11  }
0x28: {  	s16 =	sadd.s32 @!p1 s6, s16;
	s15 =	sshll.u32 @!p1 s15, $0xE;
	s14 =	sshll.u32 @!p1 s14, $0x4  }
0x29: {  	s15 =	sand.u32 @!p1 $0x4000, s15;
	s14 =	sadd.s32 @!p1 s14, s16;
	s16 =	simm.s32 @!p1 $0x0  }
0x2a: {  	[tilespmem:s15], [sflag:$0x1] =	stream.linear.gather @!p1 [hbm4b:s14+s16], $0x4000, $0x38;
	[tilespmem:$0x10100] =	vst v63  }
0x2b: {  	p1 =	sge.u32 s31, s5  }
.Ltmp2:
0x2c: {  	_ = 	snop;
	(pc) =	sbr.rel @p1 .LBB1_5-.Ltmp2, $1  }
0x2d: {  	_ =	sdelay $0x3  }
0x2e: {  	s14 =	simm.s32 $0x1  }
0x2f: {  	_ =	swait.ge [sflag:s4], $0x4000;
	s14 =	simm.s32 @!p0 $0x0  }
0x30: {  	[sflag:s4] =	ssyncset.done $0x0;
	s15 =	sshll.u32 s14, $0xE  }
0x31: {  	[sflag:s4] =	ssyncadd.s32 $0xFFFFC000;
	s17 =	sor.u32 $0x40, s15  }
0x32: {  	s14 =	smul.u32 $0x10200, s14;
	v0 =	vld [tilespmem:s17+$0x30]  }
0x33: {  	v1 =	vld [tilespmem:s17+$0xFFFFFFD0]  }
0x34: {  	s14 =	sshrl.u32 s14, $0x2;
	v5 =	vld [tilespmem:s17+$0xFFFFFFE0]  }
0x35: {  	v6 =	vld [tilespmem:s17+$0xFFFFFFF0];
	s15 =	sor.u32 $0x8000, s14  }
0x36: {  	s31 =	sand.u32 $0x1, s11;
	v3 =	vld [tilespmem:s17+$0x0];
	s16 =	sadd.s32 $0x0, s15  }
0x37: {  	v4 =	vld [tilespmem:s17+$0x10];
	s14 =	smul.u32 $0x10200, s31;
	[tilespmem:s16+$0x3870 ss:$0x81] =	vst.msk $0xffff, v0  }
0x38: {  	v2 =	vld [tilespmem:s17+$0x20];
	[tilespmem:s16+$0x810 ss:$0x81] =	vst.msk $0xffff, v1  }
0x39: {  	s14 =	sshrl.u32 s14, $0x2;
	v0 =	vld [tilespmem:s17+$0xFFFFFFC0];
	[tilespmem:s16+$0x1020 ss:$0x81] =	vst.msk $0xffff, v5;
	s17 =	sadd.s32 $0x80, s17  }
0x3a: {  	s18 =	simm.s32 $0x4;
	s19 =	simm.s32 $0x8;
	s14 =	sor.u32 $0x8000, s14;
	[tilespmem:s16+$0x1830 ss:$0x81] =	vst.msk $0xffff, v6;
	v1 =	vld [tilespmem:s17+$0x30]  }
.LBB1_3:
0x3b: {  	p1 =	sne.s32 s19, $0x1FC;
	v5 =	vld [tilespmem:s17+$0xFFFFFFD0];
	[tilespmem:s16+$0x2040 ss:$0x81] =	vst.msk $0xffff, v3  }
0x3c: {  	v6 =	vld [tilespmem:s17+$0xFFFFFFE0];
	[tilespmem:s16+$0x2850 ss:$0x81] =	vst.msk $0xffff, v4  }
0x3d: {  	s20 =	sshra.s32 s18, $0x2;
	s18 =	smov.u32 s19;
	v7 =	vld [tilespmem:s17+$0xFFFFFFF0];
	[tilespmem:s16+$0x3060 ss:$0x81] =	vst.msk $0xffff, v2  }
.Ltmp3:
0x3e: {  	v3 =	vld [tilespmem:s17+$0x0];
	[tilespmem:s16+$0x0 ss:$0x81] =	vst.msk $0xffff, v0;
	s16 =	sadd.s32 s20, s15;
	(pc) =	sbr.rel @p1 .LBB1_3-.Ltmp3, $4  }
0x3f: {  	v4 =	vld [tilespmem:s17+$0x10];
	[tilespmem:s16+$0x3870 ss:$0x81] =	vst.msk $0xffff, v1  }
0x40: {  	[tilespmem:s16+$0x810 ss:$0x81] =	vst.msk $0xffff, v5;
	v2 =	vld [tilespmem:s17+$0x20]  }
0x41: {  	v0 =	vld [tilespmem:s17+$0xFFFFFFC0];
	[tilespmem:s16+$0x1020 ss:$0x81] =	vst.msk $0xffff, v6;
	s17 =	sadd.s32 $0x80, s17  }
0x42: {  	s19 =	sadd.s32 $0x4, s19;
	v1 =	vld [tilespmem:s17+$0x30];
	[tilespmem:s16+$0x1830 ss:$0x81] =	vst.msk $0xffff, v7  }
.Ltmp4:
0x43: {  	_ = 	snop;
	(pc) =	sbr.rel .LBB1_4-.Ltmp4, $1  }
0x44: {  	_ =	sdelay $0x3  }
.LBB1_6:
0x45: {  	_ =	sfence.sel $0x180000  }
0x46: {  	s2 =	simm.s32 $0x1;
	[bflag:$0x0] =	sbarrier.arrive $0xFFFF  }
0x47: {  	s31 =	simm.s32 $0x2;
	[sflag:s2] =	ssyncpa.u1 $0x1  }
0x48: {  	[sflag:s31] =	ssyncpa.u1 $0x1  }
0x49: {  	p0 =	sne.s32 s0, $0x0;
	_ =	strace $0x90000047  }
0x4a: {  	s0 =	sadd.s32 @!p0 $0x100000, s1;
	[bflag:$0x2] =	sbarrier.arrive $0xFFFF  }
0x4b: {  	[sflag:s0] =	ssyncadd.tile.s32 @!p0 $0x1;
	_ =	shalt  }
.Lfunc_end1:
_tile_overlayer_lowered:
.L_overlay_start_2:
0x4c: {  	(tag) =	ssettag $0x2  }
0x4d: {  	s0 =	rddreg [dreg:$0x0];
	s2 =	stileid.u32  }
0x4e: {  	s1 =	rddreg [dreg:$0x1];
	p0 =	sne.s32 s2, $0x0  }
0x4f: {  	s3 =	rddreg [dreg:$0x2];
	[bflag:$0x3] =	sbarrier.arrive $0xFFFF;
	s2 =	simm.s32 @!p0 $0x1C01  }
0x50: {  	[timem:s3], [sflag:s2] =	dma.local @!p0 [hbm:s0], s1  }
0x51: {  	s0 =	simm.s32 @!p0 $0x1  }
0x52: {  	_ =	swait.ge @!p0 [sflag:s0], s1  }
0x53: {  	s1 =	ssub.s32 @!p0 $0x0, s1;
	[sflag:s0] =	ssyncset.done @!p0 $0x0  }
0x54: {  	[sflag:s0] =	ssyncadd.s32 @!p0 s1  }
0x55: {  	[bflag:$0x3] =	sbarrier.arrive $0xFFFF  }
0x56: {  	_ =	shalt  }

</sc_bundles>
